<compile_context>
chip_gen: v7x
topology: tpu7x:2x2x1
jax: 0.10.2.dev20260603
libtpu: 0.0.44.dev20260713+nightly
codegen_flags: <defaults>
</compile_context>

<pallas_src>
import jax
import jax.numpy as jnp
from jax import lax
from jax.experimental import pallas as pl
from jax.experimental.pallas import tpu as pltpu
from jax.experimental.pallas import tpu_sc as plsc

_N = 10000
_G = 64
_NT = 16
_W = 640
_SH = 624


def _body(x_hbm, b_hbm, out_hbm, colbuf, bbuf, idxb, sem, sums, cnts,
          sh_s, sh_c, t_s, t_c, obuf):
    wid = lax.axis_index("s")
    lane = lax.iota(jnp.int32, 16)
    zeros16 = jnp.zeros((16,), jnp.float32)
    for j in range(_G // 16):
        sums[pl.ds(j * 16, 16)] = zeros16
        cnts[pl.ds(j * 16, 16)] = zeros16

    base = jnp.minimum(wid * _SH, _N - _W)
    nv = jnp.where(wid == _NT - 1, _W // 16, _SH // 16)

    pltpu.sync_copy(b_hbm.at[pl.ds(base, _W)], bbuf.at[pl.ds(0, _W)])

    def idx_body(it, carry):
        idxb[pl.ds(it * 16, 16)] = (base + it * 16 + lane) * 128
        return carry

    lax.fori_loop(0, _W // 16, idx_body, 0)
    gather = pltpu.async_copy(x_hbm.at[idxb], colbuf, sem)

    cc = (lane + 1).astype(jnp.float32)

    def count_body(it, carry):
        off = it * 16
        b = bbuf[pl.ds(off, 16)]
        bn = bbuf[pl.ds(off + 1, 16)]
        m_end = (lane == 15) | (b != bn)
        m_int = (lane < 15) & (b != bn)
        plsc.addupdate_scatter(cnts, [b], cc, mask=m_end)
        plsc.addupdate_scatter(cnts, [bn], -cc, mask=m_int)
        return carry

    lax.fori_loop(0, nv, count_body, 0)
    gather.wait()

    def sum_body(it, carry):
        off = it * 16
        b = bbuf[pl.ds(off, 16)]
        bn = bbuf[pl.ds(off + 1, 16)]
        c = jnp.cumsum(colbuf[pl.ds(off, 16)])
        m_end = (lane == 15) | (b != bn)
        m_int = (lane < 15) & (b != bn)
        plsc.addupdate_scatter(sums, [b], c, mask=m_end)
        plsc.addupdate_scatter(sums, [bn], -c, mask=m_int)
        return carry

    lax.fori_loop(0, nv, sum_body, 0)

    pltpu.sync_copy(sums, sh_s.at[pl.ds(wid * _G, _G)])
    pltpu.sync_copy(cnts, sh_c.at[pl.ds(wid * _G, _G)])
    plsc.subcore_barrier()

    @pl.when(wid == 0)
    def _():
        pltpu.sync_copy(sh_s, t_s)
        pltpu.sync_copy(sh_c, t_c)

        def red_body(r, accs):
            return tuple(
                accs[j] + t_s[pl.ds(r * _G + j * 16, 16)] if j < _G // 16
                else accs[j] + t_c[pl.ds(r * _G + (j - _G // 16) * 16, 16)]
                for j in range(2 * (_G // 16))
            )

        accs = lax.fori_loop(0, _NT, red_body, (zeros16,) * (2 * (_G // 16)))
        for j in range(_G // 16):
            obuf[pl.ds(j * 16, 16)] = accs[j] / accs[j + _G // 16]
        pltpu.sync_copy(obuf, out_hbm)


@jax.jit
def _seg_mean(x, batch):
    mesh = plsc.VectorSubcoreMesh(
        core_axis_name="c", subcore_axis_name="s", num_cores=1)
    f = pl.kernel(
        _body,
        out_type=jax.ShapeDtypeStruct((_G,), jnp.float32),
        mesh=mesh,
        compiler_params=pltpu.CompilerParams(needs_layout_passes=False),
        scratch_types=[
            pltpu.VMEM((_W,), jnp.float32),
            pltpu.VMEM((_W + 16,), jnp.int32),
            pltpu.VMEM((_W,), jnp.int32),
            pltpu.SemaphoreType.DMA,
            pltpu.VMEM((_G,), jnp.float32),
            pltpu.VMEM((_G,), jnp.float32),
            pltpu.VMEM_SHARED((_NT * _G,), jnp.float32),
            pltpu.VMEM_SHARED((_NT * _G,), jnp.float32),
            pltpu.VMEM((_NT * _G,), jnp.float32),
            pltpu.VMEM((_NT * _G,), jnp.float32),
            pltpu.VMEM((_G,), jnp.float32),
        ],
    )
    return f(x.reshape(-1), batch)


def kernel(x, edge_index, edge_attr, batch):
    out = _seg_mean(x, batch.astype(jnp.int32))
    return out[:, None]

# --- scband reference (transcript-rebuilt; emitter-appended) ---
"""Pipeline reference for scband-dummy-model-57277683860081 (READ-ONLY COPY).

The authoritative reference and input builder live on the scoring server;
editing this copy changes nothing except your own understanding.
"""

import jax, jax.numpy as jnp
import numpy as np


def setup_inputs(seed: int = 0) -> dict:
    key = jax.random.key(seed)
    k1, k2, k3, k4 = jax.random.split(key, 4)
    x = jax.random.normal(k1, (10000, 128), dtype=jnp.float32)
    edge_index = jax.random.randint(k2, (2, 320000), 0, 10000)
    edge_attr = jax.random.normal(k3, (320000, 16), dtype=jnp.float32)
    batch = jnp.sort(jax.random.randint(k4, (10000,), 0, 64))
    return {"x": x, "edge_index": edge_index, "edge_attr": edge_attr, "batch": batch}


def reference(x, edge_index, edge_attr, batch):
    # Per-graph mean of x[:, 0], grouped by `batch` segment ids.
    # Faithful to the torch loop: out[g] = mean(x[batch == g, 0]).
    n_graphs = 64 if batch.size > 0 else 1
    col = x[:, 0]
    sums = jax.ops.segment_sum(col, batch, num_segments=n_graphs)
    counts = jax.ops.segment_sum(jnp.ones_like(col), batch, num_segments=n_graphs)
    out = (sums / counts)[:, None]
    return out

if __name__ == "__main__":
    import jax
    _d = setup_inputs()
    print(jax.jit(kernel)(*tuple(_d.values())))

</pallas_src>

<mosaic_0001>
#map = affine_map<(d0, d1) -> (0)>
module attributes {stable_mosaic.version = 14 : i64} {
  func.func @_body(%arg0: i32, %arg1: i32, %arg2: memref<1280000xf32, #tpu.memory_space<hbm>>, %arg3: memref<10000xi32, #tpu.memory_space<hbm>>, %arg4: memref<64xf32, #tpu.memory_space<hbm>>, %arg5: memref<640xf32, #tpu.memory_space<vmem>>, %arg6: memref<656xi32, #tpu.memory_space<vmem>>, %arg7: memref<640xi32, #tpu.memory_space<vmem>>, %arg8: memref<!tpu.dma_semaphore, #tpu.memory_space<semaphore_mem>>, %arg9: memref<64xf32, #tpu.memory_space<vmem>>, %arg10: memref<64xf32, #tpu.memory_space<vmem>>, %arg11: memref<1024xf32, #tpu.memory_space<vmem_shared>>, %arg12: memref<1024xf32, #tpu.memory_space<vmem_shared>>, %arg13: memref<1024xf32, #tpu.memory_space<vmem>>, %arg14: memref<1024xf32, #tpu.memory_space<vmem>>, %arg15: memref<64xf32, #tpu.memory_space<vmem>>) attributes {dimension_semantics = [#tpu.dimension_semantics<core_parallel>, #tpu.dimension_semantics<subcore_parallel>], iteration_bounds = array<i64: 1, 16>, scalar_prefetch = 0 : i64, scratch_operands = 11 : i64, tpu.core_type = #tpu.core_type<sc_vector_subcore>, window_params = [{transform_indices = #map}, {transform_indices = #map}, {transform_indices = #map}]} {
    %iota3A = tpu.iota {dimensions = array<i32: 0>} : vector<16xi32>
    %broadcast_in_dim3A = arith.constant 0.000000e+00 : f32
    %broadcast_in_dim3A_0 = vector.broadcast %broadcast_in_dim3A : f32 to vector<16xf32>
    %swap3A = arith.constant 0 : index
    %swap3A_1 = tpu.vector_load %arg9[%swap3A] {strides = array<i32>} : memref<64xf32, #tpu.memory_space<vmem>>, vector<16xf32>,
    tpu.vector_store %arg9[%swap3A], %broadcast_in_dim3A_0 {strides = array<i32>} : memref<64xf32, #tpu.memory_space<vmem>>, vector<16xf32>,
    %swap3A_2 = arith.constant 0 : index
    %swap3A_3 = tpu.vector_load %arg10[%swap3A_2] {strides = array<i32>} : memref<64xf32, #tpu.memory_space<vmem>>, vector<16xf32>,
    tpu.vector_store %arg10[%swap3A_2], %broadcast_in_dim3A_0 {strides = array<i32>} : memref<64xf32, #tpu.memory_space<vmem>>, vector<16xf32>,
    %swap3A_4 = arith.constant 16 : index
    %swap3A_5 = tpu.vector_load %arg9[%swap3A_4] {strides = array<i32>} : memref<64xf32, #tpu.memory_space<vmem>>, vector<16xf32>,
    tpu.vector_store %arg9[%swap3A_4], %broadcast_in_dim3A_0 {strides = array<i32>} : memref<64xf32, #tpu.memory_space<vmem>>, vector<16xf32>,
    %swap3A_6 = arith.constant 16 : index
    %swap3A_7 = tpu.vector_load %arg10[%swap3A_6] {strides = array<i32>} : memref<64xf32, #tpu.memory_space<vmem>>, vector<16xf32>,
    tpu.vector_store %arg10[%swap3A_6], %broadcast_in_dim3A_0 {strides = array<i32>} : memref<64xf32, #tpu.memory_space<vmem>>, vector<16xf32>,
    %swap3A_8 = arith.constant 32 : index
    %swap3A_9 = tpu.vector_load %arg9[%swap3A_8] {strides = array<i32>} : memref<64xf32, #tpu.memory_space<vmem>>, vector<16xf32>,
    tpu.vector_store %arg9[%swap3A_8], %broadcast_in_dim3A_0 {strides = array<i32>} : memref<64xf32, #tpu.memory_space<vmem>>, vector<16xf32>,
    %swap3A_10 = arith.constant 32 : index
    %swap3A_11 = tpu.vector_load %arg10[%swap3A_10] {strides = array<i32>} : memref<64xf32, #tpu.memory_space<vmem>>, vector<16xf32>,
    tpu.vector_store %arg10[%swap3A_10], %broadcast_in_dim3A_0 {strides = array<i32>} : memref<64xf32, #tpu.memory_space<vmem>>, vector<16xf32>,
    %swap3A_12 = arith.constant 48 : index
    %swap3A_13 = tpu.vector_load %arg9[%swap3A_12] {strides = array<i32>} : memref<64xf32, #tpu.memory_space<vmem>>, vector<16xf32>,
    tpu.vector_store %arg9[%swap3A_12], %broadcast_in_dim3A_0 {strides = array<i32>} : memref<64xf32, #tpu.memory_space<vmem>>, vector<16xf32>,
    %swap3A_14 = arith.constant 48 : index
    %swap3A_15 = tpu.vector_load %arg10[%swap3A_14] {strides = array<i32>} : memref<64xf32, #tpu.memory_space<vmem>>, vector<16xf32>,
    tpu.vector_store %arg10[%swap3A_14], %broadcast_in_dim3A_0 {strides = array<i32>} : memref<64xf32, #tpu.memory_space<vmem>>, vector<16xf32>,
    %mul3A = arith.constant 624 : i32
    %mul3A_16 = arith.muli %arg1, %mul3A : i32
    %min3A = arith.constant 9360 : i32
    %min3A_17 = arith.minsi %mul3A_16, %min3A : i32
    %eq3A = arith.constant 15 : i32
    %eq3A_18 = arith.cmpi eq, %arg1, %eq3A : i32
    %jit3A = arith.constant 40 : i32
    %jit3A_19 = arith.constant 39 : i32
    %select_n3A = arith.select %eq3A_18, %jit3A, %jit3A_19 : i32
    "tpu.region"() ({
      %run_scoped3A = tpu.sem_alloc : memref<!tpu.dma_semaphore, #tpu.memory_space<semaphore_mem>>
      %dma_start3A_56 = arith.constant 0 : i32
      %dma_start3A_57 = tpu.memref_slice %arg6[%dma_start3A_56] : memref<656xi32, #tpu.memory_space<vmem>> -> memref<640xi32, #tpu.memory_space<vmem>>
      %dma_start3A_58 = tpu.memref_slice %arg3[%min3A_17] : memref<10000xi32, #tpu.memory_space<hbm>> -> memref<640xi32, #tpu.memory_space<hbm>>
      %dma_start3A_59 = arith.constant 0 : i32
      %dma_start3A_60 = tpu.memref_slice %arg6[%dma_start3A_59] : memref<656xi32, #tpu.memory_space<vmem>> -> memref<640xi32, #tpu.memory_space<vmem>>
      %dma_start3A_61 = tpu.memref_slice %arg3[%min3A_17] : memref<10000xi32, #tpu.memory_space<hbm>> -> memref<640xi32, #tpu.memory_space<hbm>>
      tpu.enqueue_dma source(%dma_start3A_61 : memref<640xi32, #tpu.memory_space<hbm>>) target(%dma_start3A_60 : memref<640xi32, #tpu.memory_space<vmem>>) target_semaphore(%run_scoped3A : memref<!tpu.dma_semaphore, #tpu.memory_space<semaphore_mem>>)
      %dma_wait3A_62 = arith.constant 0 : i32
      %dma_wait3A_63 = tpu.memref_slice %arg6[%dma_wait3A_62] : memref<656xi32, #tpu.memory_space<vmem>> -> memref<640xi32, #tpu.memory_space<vmem>>
      %dma_wait3A_64 = tpu.memref_slice %arg3[%min3A_17] : memref<10000xi32, #tpu.memory_space<hbm>> -> memref<640xi32, #tpu.memory_space<hbm>>
      %dma_wait3A_65 = arith.constant 0 : i32
      %dma_wait3A_66 = tpu.memref_slice %arg6[%dma_wait3A_65] : memref<656xi32, #tpu.memory_space<vmem>> -> memref<640xi32, #tpu.memory_space<vmem>>
      %dma_wait3A_67 = tpu.memref_slice %arg3[%min3A_17] : memref<10000xi32, #tpu.memory_space<hbm>> -> memref<640xi32, #tpu.memory_space<hbm>>
      tpu.wait_dma2 semaphore(%run_scoped3A : memref<!tpu.dma_semaphore, #tpu.memory_space<semaphore_mem>>) src(%dma_wait3A_67 : memref<640xi32, #tpu.memory_space<hbm>>) dst(%dma_wait3A_66 : memref<640xi32, #tpu.memory_space<vmem>>)
      tpu.yield
    }) : () -> ()
    %scan3A = arith.constant 0 : i32
    %scan3A_20 = arith.constant 0 : i32
    %scan3A_21 = arith.constant 40 : i32
    %scan3A_22 = arith.addi %scan3A_20, %scan3A_21 : i32
    %scan3A_23 = arith.constant 1 : i32
    scf.for %scan3A_56 = %scan3A_20 to %scan3A_22 step %scan3A_23  : i32 {
      %mul3A_57 = arith.constant 16 : i32
      %mul3A_58 = arith.muli %scan3A_56, %mul3A_57 : i32
      %add3A_59 = arith.addi %min3A_17, %mul3A_58 : i32
      %add3A_60 = vector.broadcast %add3A_59 : i32 to vector<16xi32>
      %add3A_61 = arith.addi %add3A_60, %iota3A : vector<16xi32>
      %mul3A_62 = arith.constant 128 : i32
      %mul3A_63 = vector.broadcast %mul3A_62 : i32 to vector<16xi32>
      %mul3A_64 = arith.muli %add3A_61, %mul3A_63 : vector<16xi32>
      %mul3A_65 = arith.constant 16 : i32
      %mul3A_66 = arith.muli %scan3A_56, %mul3A_65 : i32
      %swap3A_67 = arith.index_cast %mul3A_66 : i32 to index
      %swap3A_68 = tpu.vector_load %arg7[%swap3A_67] {strides = array<i32>} : memref<640xi32, #tpu.memory_space<vmem>>, vector<16xi32>,
      tpu.vector_store %arg7[%swap3A_67], %mul3A_64 {strides = array<i32>} : memref<640xi32, #tpu.memory_space<vmem>>, vector<16xi32>,
    }
    %scan3A_24 = arith.constant 40 : i32
    %dma_start3A = arith.constant 0 : i32
    %dma_start3A_25 = tpu.memref_slice %arg2[%dma_start3A] : memref<1280000xf32, #tpu.memory_space<hbm>> -> memref<1280000xf32, #tpu.memory_space<hbm>>
    tpu.enqueue_indirect_dma source(%dma_start3A_25 : memref<1280000xf32, #tpu.memory_space<hbm>>) target(%arg5 : memref<640xf32, #tpu.memory_space<vmem>>) offsets(%arg7 : memref<640xi32, #tpu.memory_space<vmem>>) semaphore(%arg8 : memref<!tpu.dma_semaphore, #tpu.memory_space<semaphore_mem>>)
    %add3A = arith.constant 1 : i32
    %add3A_26 = vector.broadcast %add3A : i32 to vector<16xi32>
    %add3A_27 = arith.addi %iota3A, %add3A_26 : vector<16xi32>
    %convert_element_type3A = arith.sitofp %add3A_27 : vector<16xi32> to vector<16xf32>
    %while3A = arith.constant 0 : i32
    %while3A_28 = arith.constant 0 : i32
    %while3A_29 = arith.subi %select_n3A, %while3A_28 : i32
    %while3A_30 = arith.addi %while3A_28, %while3A_29 : i32
    %while3A_31 = arith.constant 1 : i32
    %while3A_32 = arith.divsi %while3A_29, %while3A_31 : i32
    %while3A_33 = arith.muli %while3A_32, %while3A_31 : i32
    %while3A_34 = arith.addi %while3A_28, %while3A_33 : i32
    %while3A_35 = arith.constant 1 : i32
    scf.for %while3A_56 = %while3A_28 to %while3A_34 step %while3A_35  : i32 {
      %mul3A_57 = arith.constant 16 : i32
      %mul3A_58 = arith.muli %while3A_56, %mul3A_57 : i32
      %get3A = arith.index_cast %mul3A_58 : i32 to index
      %get3A_59 = tpu.vector_load %arg6[%get3A] {strides = array<i32>} : memref<656xi32, #tpu.memory_space<vmem>>, vector<16xi32>,
      %add3A_60 = arith.constant 1 : i32
      %add3A_61 = arith.addi %mul3A_58, %add3A_60 : i32
      %get3A_62 = arith.index_cast %add3A_61 : i32 to index
      %get3A_63 = tpu.vector_load %arg6[%get3A_62] {strides = array<i32>} : memref<656xi32, #tpu.memory_space<vmem>>, vector<16xi32>,
      %eq3A_64 = arith.constant 15 : i32
      %eq3A_65 = vector.broadcast %eq3A_64 : i32 to vector<16xi32>
      %eq3A_66 = arith.cmpi eq, %iota3A, %eq3A_65 : vector<16xi32>
      %ne3A = arith.cmpi ne, %get3A_59, %get3A_63 : vector<16xi32>
      %or3A = arith.ori %eq3A_66, %ne3A : vector<16xi1>
      %lt3A = arith.constant 15 : i32
      %lt3A_67 = vector.broadcast %lt3A : i32 to vector<16xi32>
      %lt3A_68 = arith.cmpi slt, %iota3A, %lt3A_67 : vector<16xi32>
      %ne3A_69 = arith.cmpi ne, %get3A_59, %get3A_63 : vector<16xi32>
      %and3A = arith.andi %lt3A_68, %ne3A_69 : vector<16xi1>
      tpu.vector_store_idx %arg10[%get3A_59], %convert_element_type3A masked %or3A {add = true} : memref<64xf32, #tpu.memory_space<vmem>>[vector<16xi32>], vector<16xf32>, vector<16xi1>
      %neg3A = arith.constant 0.000000e+00 : f32
      %neg3A_70 = vector.broadcast %neg3A : f32 to vector<16xf32>
      %neg3A_71 = arith.subf %neg3A_70, %convert_element_type3A : vector<16xf32>
      tpu.vector_store_idx %arg10[%get3A_63], %neg3A_71 masked %and3A {add = true} : memref<64xf32, #tpu.memory_space<vmem>>[vector<16xi32>], vector<16xf32>, vector<16xi1>
    }
    %while3A_36 = arith.constant 1 : i32
    scf.for %while3A_56 = %while3A_34 to %while3A_30 step %while3A_36  : i32 {
      %mul3A_57 = arith.constant 16 : i32
      %mul3A_58 = arith.muli %while3A_56, %mul3A_57 : i32
      %get3A = arith.index_cast %mul3A_58 : i32 to index
      %get3A_59 = tpu.vector_load %arg6[%get3A] {strides = array<i32>} : memref<656xi32, #tpu.memory_space<vmem>>, vector<16xi32>,
      %add3A_60 = arith.constant 1 : i32
      %add3A_61 = arith.addi %mul3A_58, %add3A_60 : i32
      %get3A_62 = arith.index_cast %add3A_61 : i32 to index
      %get3A_63 = tpu.vector_load %arg6[%get3A_62] {strides = array<i32>} : memref<656xi32, #tpu.memory_space<vmem>>, vector<16xi32>,
      %eq3A_64 = arith.constant 15 : i32
      %eq3A_65 = vector.broadcast %eq3A_64 : i32 to vector<16xi32>
      %eq3A_66 = arith.cmpi eq, %iota3A, %eq3A_65 : vector<16xi32>
      %ne3A = arith.cmpi ne, %get3A_59, %get3A_63 : vector<16xi32>
      %or3A = arith.ori %eq3A_66, %ne3A : vector<16xi1>
      %lt3A = arith.constant 15 : i32
      %lt3A_67 = vector.broadcast %lt3A : i32 to vector<16xi32>
      %lt3A_68 = arith.cmpi slt, %iota3A, %lt3A_67 : vector<16xi32>
      %ne3A_69 = arith.cmpi ne, %get3A_59, %get3A_63 : vector<16xi32>
      %and3A = arith.andi %lt3A_68, %ne3A_69 : vector<16xi1>
      tpu.vector_store_idx %arg10[%get3A_59], %convert_element_type3A masked %or3A {add = true} : memref<64xf32, #tpu.memory_space<vmem>>[vector<16xi32>], vector<16xf32>, vector<16xi1>
      %neg3A = arith.constant 0.000000e+00 : f32
      %neg3A_70 = vector.broadcast %neg3A : f32 to vector<16xf32>
      %neg3A_71 = arith.subf %neg3A_70, %convert_element_type3A : vector<16xf32>
      tpu.vector_store_idx %arg10[%get3A_63], %neg3A_71 masked %and3A {add = true} : memref<64xf32, #tpu.memory_space<vmem>>[vector<16xi32>], vector<16xf32>, vector<16xi1>
    }
    %dma_wait3A = arith.constant 0 : i32
    %dma_wait3A_37 = tpu.memref_slice %arg2[%dma_wait3A] : memref<1280000xf32, #tpu.memory_space<hbm>> -> memref<1280000xf32, #tpu.memory_space<hbm>>
    tpu.wait_indirect_dma semaphore(%arg8 : memref<!tpu.dma_semaphore, #tpu.memory_space<semaphore_mem>>) src(%dma_wait3A_37 : memref<1280000xf32, #tpu.memory_space<hbm>>) dst(%arg5 : memref<640xf32, #tpu.memory_space<vmem>>)
    %while3A_38 = arith.constant 0 : i32
    %while3A_39 = arith.constant 0 : i32
    %while3A_40 = arith.subi %select_n3A, %while3A_39 : i32
    %while3A_41 = arith.addi %while3A_39, %while3A_40 : i32
    %while3A_42 = arith.constant 1 : i32
    %while3A_43 = arith.divsi %while3A_40, %while3A_42 : i32
    %while3A_44 = arith.muli %while3A_43, %while3A_42 : i32
    %while3A_45 = arith.addi %while3A_39, %while3A_44 : i32
    %while3A_46 = arith.constant 1 : i32
    scf.for %while3A_56 = %while3A_39 to %while3A_45 step %while3A_46  : i32 {
      %mul3A_57 = arith.constant 16 : i32
      %mul3A_58 = arith.muli %while3A_56, %mul3A_57 : i32
      %get3A = arith.index_cast %mul3A_58 : i32 to index
      %get3A_59 = tpu.vector_load %arg6[%get3A] {strides = array<i32>} : memref<656xi32, #tpu.memory_space<vmem>>, vector<16xi32>,
      %add3A_60 = arith.constant 1 : i32
      %add3A_61 = arith.addi %mul3A_58, %add3A_60 : i32
      %get3A_62 = arith.index_cast %add3A_61 : i32 to index
      %get3A_63 = tpu.vector_load %arg6[%get3A_62] {strides = array<i32>} : memref<656xi32, #tpu.memory_space<vmem>>, vector<16xi32>,
      %get3A_64 = arith.index_cast %mul3A_58 : i32 to index
      %get3A_65 = tpu.vector_load %arg5[%get3A_64] {strides = array<i32>} : memref<640xf32, #tpu.memory_space<vmem>>, vector<16xf32>,
      %cumsum3A = arith.constant true
      %cumsum3A_66 = vector.broadcast %cumsum3A : i1 to vector<16xi1>
      %cumsum3A_67 = tpu.scan <sum>, %get3A_65 masked %cumsum3A_66 : vector<16xf32>, vector<16xi1> -> vector<16xf32>
      %eq3A_68 = arith.constant 15 : i32
      %eq3A_69 = vector.broadcast %eq3A_68 : i32 to vector<16xi32>
      %eq3A_70 = arith.cmpi eq, %iota3A, %eq3A_69 : vector<16xi32>
      %ne3A = arith.cmpi ne, %get3A_59, %get3A_63 : vector<16xi32>
      %or3A = arith.ori %eq3A_70, %ne3A : vector<16xi1>
      %lt3A = arith.constant 15 : i32
      %lt3A_71 = vector.broadcast %lt3A : i32 to vector<16xi32>
      %lt3A_72 = arith.cmpi slt, %iota3A, %lt3A_71 : vector<16xi32>
      %ne3A_73 = arith.cmpi ne, %get3A_59, %get3A_63 : vector<16xi32>
      %and3A = arith.andi %lt3A_72, %ne3A_73 : vector<16xi1>
      tpu.vector_store_idx %arg9[%get3A_59], %cumsum3A_67 masked %or3A {add = true} : memref<64xf32, #tpu.memory_space<vmem>>[vector<16xi32>], vector<16xf32>, vector<16xi1>
      %neg3A = arith.constant 0.000000e+00 : f32
      %neg3A_74 = vector.broadcast %neg3A : f32 to vector<16xf32>
      %neg3A_75 = arith.subf %neg3A_74, %cumsum3A_67 : vector<16xf32>
      tpu.vector_store_idx %arg9[%get3A_63], %neg3A_75 masked %and3A {add = true} : memref<64xf32, #tpu.memory_space<vmem>>[vector<16xi32>], vector<16xf32>, vector<16xi1>
    }
    %while3A_47 = arith.constant 1 : i32
    scf.for %while3A_56 = %while3A_45 to %while3A_41 step %while3A_47  : i32 {
      %mul3A_57 = arith.constant 16 : i32
      %mul3A_58 = arith.muli %while3A_56, %mul3A_57 : i32
      %get3A = arith.index_cast %mul3A_58 : i32 to index
      %get3A_59 = tpu.vector_load %arg6[%get3A] {strides = array<i32>} : memref<656xi32, #tpu.memory_space<vmem>>, vector<16xi32>,
      %add3A_60 = arith.constant 1 : i32
      %add3A_61 = arith.addi %mul3A_58, %add3A_60 : i32
      %get3A_62 = arith.index_cast %add3A_61 : i32 to index
      %get3A_63 = tpu.vector_load %arg6[%get3A_62] {strides = array<i32>} : memref<656xi32, #tpu.memory_space<vmem>>, vector<16xi32>,
      %get3A_64 = arith.index_cast %mul3A_58 : i32 to index
      %get3A_65 = tpu.vector_load %arg5[%get3A_64] {strides = array<i32>} : memref<640xf32, #tpu.memory_space<vmem>>, vector<16xf32>,
      %cumsum3A = arith.constant true
      %cumsum3A_66 = vector.broadcast %cumsum3A : i1 to vector<16xi1>
      %cumsum3A_67 = tpu.scan <sum>, %get3A_65 masked %cumsum3A_66 : vector<16xf32>, vector<16xi1> -> vector<16xf32>
      %eq3A_68 = arith.constant 15 : i32
      %eq3A_69 = vector.broadcast %eq3A_68 : i32 to vector<16xi32>
      %eq3A_70 = arith.cmpi eq, %iota3A, %eq3A_69 : vector<16xi32>
      %ne3A = arith.cmpi ne, %get3A_59, %get3A_63 : vector<16xi32>
      %or3A = arith.ori %eq3A_70, %ne3A : vector<16xi1>
      %lt3A = arith.constant 15 : i32
      %lt3A_71 = vector.broadcast %lt3A : i32 to vector<16xi32>
      %lt3A_72 = arith.cmpi slt, %iota3A, %lt3A_71 : vector<16xi32>
      %ne3A_73 = arith.cmpi ne, %get3A_59, %get3A_63 : vector<16xi32>
      %and3A = arith.andi %lt3A_72, %ne3A_73 : vector<16xi1>
      tpu.vector_store_idx %arg9[%get3A_59], %cumsum3A_67 masked %or3A {add = true} : memref<64xf32, #tpu.memory_space<vmem>>[vector<16xi32>], vector<16xf32>, vector<16xi1>
      %neg3A = arith.constant 0.000000e+00 : f32
      %neg3A_74 = vector.broadcast %neg3A : f32 to vector<16xf32>
      %neg3A_75 = arith.subf %neg3A_74, %cumsum3A_67 : vector<16xf32>
      tpu.vector_store_idx %arg9[%get3A_63], %neg3A_75 masked %and3A {add = true} : memref<64xf32, #tpu.memory_space<vmem>>[vector<16xi32>], vector<16xf32>, vector<16xi1>
    }
    %mul3A_48 = arith.constant 64 : i32
    %mul3A_49 = arith.muli %arg1, %mul3A_48 : i32
    "tpu.region"() ({
      %run_scoped3A = tpu.sem_alloc : memref<!tpu.dma_semaphore, #tpu.memory_space<semaphore_mem>>
      %dma_start3A_56 = tpu.memref_slice %arg11[%mul3A_49] : memref<1024xf32, #tpu.memory_space<vmem_shared>> -> memref<64xf32, #tpu.memory_space<vmem_shared>>
      %dma_start3A_57 = tpu.memref_slice %arg11[%mul3A_49] : memref<1024xf32, #tpu.memory_space<vmem_shared>> -> memref<64xf32, #tpu.memory_space<vmem_shared>>
      tpu.enqueue_dma source(%arg9 : memref<64xf32, #tpu.memory_space<vmem>>) target(%dma_start3A_57 : memref<64xf32, #tpu.memory_space<vmem_shared>>) target_semaphore(%run_scoped3A : memref<!tpu.dma_semaphore, #tpu.memory_space<semaphore_mem>>)
      %dma_wait3A_58 = tpu.memref_slice %arg11[%mul3A_49] : memref<1024xf32, #tpu.memory_space<vmem_shared>> -> memref<64xf32, #tpu.memory_space<vmem_shared>>
      %dma_wait3A_59 = tpu.memref_slice %arg11[%mul3A_49] : memref<1024xf32, #tpu.memory_space<vmem_shared>> -> memref<64xf32, #tpu.memory_space<vmem_shared>>
      tpu.wait_dma2 semaphore(%run_scoped3A : memref<!tpu.dma_semaphore, #tpu.memory_space<semaphore_mem>>) src(%arg9 : memref<64xf32, #tpu.memory_space<vmem>>) dst(%dma_wait3A_59 : memref<64xf32, #tpu.memory_space<vmem_shared>>)
      tpu.yield
    }) : () -> ()
    %mul3A_50 = arith.constant 64 : i32
    %mul3A_51 = arith.muli %arg1, %mul3A_50 : i32
    "tpu.region"() ({
      %run_scoped3A = tpu.sem_alloc : memref<!tpu.dma_semaphore, #tpu.memory_space<semaphore_mem>>
      %dma_start3A_56 = tpu.memref_slice %arg12[%mul3A_51] : memref<1024xf32, #tpu.memory_space<vmem_shared>> -> memref<64xf32, #tpu.memory_space<vmem_shared>>
      %dma_start3A_57 = tpu.memref_slice %arg12[%mul3A_51] : memref<1024xf32, #tpu.memory_space<vmem_shared>> -> memref<64xf32, #tpu.memory_space<vmem_shared>>
      tpu.enqueue_dma source(%arg10 : memref<64xf32, #tpu.memory_space<vmem>>) target(%dma_start3A_57 : memref<64xf32, #tpu.memory_space<vmem_shared>>) target_semaphore(%run_scoped3A : memref<!tpu.dma_semaphore, #tpu.memory_space<semaphore_mem>>)
      %dma_wait3A_58 = tpu.memref_slice %arg12[%mul3A_51] : memref<1024xf32, #tpu.memory_space<vmem_shared>> -> memref<64xf32, #tpu.memory_space<vmem_shared>>
      %dma_wait3A_59 = tpu.memref_slice %arg12[%mul3A_51] : memref<1024xf32, #tpu.memory_space<vmem_shared>> -> memref<64xf32, #tpu.memory_space<vmem_shared>>
      tpu.wait_dma2 semaphore(%run_scoped3A : memref<!tpu.dma_semaphore, #tpu.memory_space<semaphore_mem>>) src(%arg10 : memref<64xf32, #tpu.memory_space<vmem>>) dst(%dma_wait3A_59 : memref<64xf32, #tpu.memory_space<vmem_shared>>)
      tpu.yield
    }) : () -> ()
    %barrier3A = arith.constant 0 : index
    tpu.barrier barrier_id(%barrier3A)
    %eq3A_52 = arith.constant 0 : i32
    %eq3A_53 = arith.cmpi eq, %arg1, %eq3A_52 : i32
    %convert_element_type3A_54 = arith.extui %eq3A_53 : i1 to i32
    %cond3A = arith.constant 0 : i32
    %cond3A_55 = arith.cmpi ne, %convert_element_type3A_54, %cond3A : i32
    scf.if %cond3A_55 {
      "tpu.region"() ({
        %run_scoped3A = tpu.sem_alloc : memref<!tpu.dma_semaphore, #tpu.memory_space<semaphore_mem>>
        tpu.enqueue_dma source(%arg11 : memref<1024xf32, #tpu.memory_space<vmem_shared>>) target(%arg13 : memref<1024xf32, #tpu.memory_space<vmem>>) target_semaphore(%run_scoped3A : memref<!tpu.dma_semaphore, #tpu.memory_space<semaphore_mem>>)
        tpu.wait_dma2 semaphore(%run_scoped3A : memref<!tpu.dma_semaphore, #tpu.memory_space<semaphore_mem>>) src(%arg11 : memref<1024xf32, #tpu.memory_space<vmem_shared>>) dst(%arg13 : memref<1024xf32, #tpu.memory_space<vmem>>)
        tpu.yield
      }) : () -> ()
      "tpu.region"() ({
        %run_scoped3A = tpu.sem_alloc : memref<!tpu.dma_semaphore, #tpu.memory_space<semaphore_mem>>
        tpu.enqueue_dma source(%arg12 : memref<1024xf32, #tpu.memory_space<vmem_shared>>) target(%arg14 : memref<1024xf32, #tpu.memory_space<vmem>>) target_semaphore(%run_scoped3A : memref<!tpu.dma_semaphore, #tpu.memory_space<semaphore_mem>>)
        tpu.wait_dma2 semaphore(%run_scoped3A : memref<!tpu.dma_semaphore, #tpu.memory_space<semaphore_mem>>) src(%arg12 : memref<1024xf32, #tpu.memory_space<vmem_shared>>) dst(%arg14 : memref<1024xf32, #tpu.memory_space<vmem>>)
        tpu.yield
      }) : () -> ()
      %scan3A_56 = arith.constant 0 : i32
      %scan3A_57 = arith.constant 16 : i32
      %scan3A_58 = arith.addi %scan3A_56, %scan3A_57 : i32
      %scan3A_59 = arith.constant 1 : i32
      %scan3A_60:8 = scf.for %scan3A_73 = %scan3A_56 to %scan3A_58 step %scan3A_59 iter_args(%scan3A_74 = %broadcast_in_dim3A_0, %scan3A_75 = %broadcast_in_dim3A_0, %scan3A_76 = %broadcast_in_dim3A_0, %scan3A_77 = %broadcast_in_dim3A_0, %scan3A_78 = %broadcast_in_dim3A_0, %scan3A_79 = %broadcast_in_dim3A_0, %scan3A_80 = %broadcast_in_dim3A_0, %scan3A_81 = %broadcast_in_dim3A_0) -> (vector<16xf32>, vector<16xf32>, vector<16xf32>, vector<16xf32>, vector<16xf32>, vector<16xf32>, vector<16xf32>, vector<16xf32>)  : i32 {
        %mul3A_82 = arith.constant 64 : i32
        %mul3A_83 = arith.muli %scan3A_73, %mul3A_82 : i32
        %add3A_84 = arith.constant 0 : i32
        %add3A_85 = arith.addi %mul3A_83, %add3A_84 : i32
        %get3A = arith.index_cast %add3A_85 : i32 to index
        %get3A_86 = tpu.vector_load %arg13[%get3A] {strides = array<i32>} : memref<1024xf32, #tpu.memory_space<vmem>>, vector<16xf32>,
        %add3A_87 = arith.addf %scan3A_74, %get3A_86 : vector<16xf32>
        %mul3A_88 = arith.constant 64 : i32
        %mul3A_89 = arith.muli %scan3A_73, %mul3A_88 : i32
        %add3A_90 = arith.constant 16 : i32
        %add3A_91 = arith.addi %mul3A_89, %add3A_90 : i32
        %get3A_92 = arith.index_cast %add3A_91 : i32 to index
        %get3A_93 = tpu.vector_load %arg13[%get3A_92] {strides = array<i32>} : memref<1024xf32, #tpu.memory_space<vmem>>, vector<16xf32>,
        %add3A_94 = arith.addf %scan3A_75, %get3A_93 : vector<16xf32>
        %mul3A_95 = arith.constant 64 : i32
        %mul3A_96 = arith.muli %scan3A_73, %mul3A_95 : i32
        %add3A_97 = arith.constant 32 : i32
        %add3A_98 = arith.addi %mul3A_96, %add3A_97 : i32
        %get3A_99 = arith.index_cast %add3A_98 : i32 to index
        %get3A_100 = tpu.vector_load %arg13[%get3A_99] {strides = array<i32>} : memref<1024xf32, #tpu.memory_space<vmem>>, vector<16xf32>,
        %add3A_101 = arith.addf %scan3A_76, %get3A_100 : vector<16xf32>
        %mul3A_102 = arith.constant 64 : i32
        %mul3A_103 = arith.muli %scan3A_73, %mul3A_102 : i32
        %add3A_104 = arith.constant 48 : i32
        %add3A_105 = arith.addi %mul3A_103, %add3A_104 : i32
        %get3A_106 = arith.index_cast %add3A_105 : i32 to index
        %get3A_107 = tpu.vector_load %arg13[%get3A_106] {strides = array<i32>} : memref<1024xf32, #tpu.memory_space<vmem>>, vector<16xf32>,
        %add3A_108 = arith.addf %scan3A_77, %get3A_107 : vector<16xf32>
        %mul3A_109 = arith.constant 64 : i32
        %mul3A_110 = arith.muli %scan3A_73, %mul3A_109 : i32
        %add3A_111 = arith.constant 0 : i32
        %add3A_112 = arith.addi %mul3A_110, %add3A_111 : i32
        %get3A_113 = arith.index_cast %add3A_112 : i32 to index
        %get3A_114 = tpu.vector_load %arg14[%get3A_113] {strides = array<i32>} : memref<1024xf32, #tpu.memory_space<vmem>>, vector<16xf32>,
        %add3A_115 = arith.addf %scan3A_78, %get3A_114 : vector<16xf32>
        %mul3A_116 = arith.constant 64 : i32
        %mul3A_117 = arith.muli %scan3A_73, %mul3A_116 : i32
        %add3A_118 = arith.constant 16 : i32
        %add3A_119 = arith.addi %mul3A_117, %add3A_118 : i32
        %get3A_120 = arith.index_cast %add3A_119 : i32 to index
        %get3A_121 = tpu.vector_load %arg14[%get3A_120] {strides = array<i32>} : memref<1024xf32, #tpu.memory_space<vmem>>, vector<16xf32>,
        %add3A_122 = arith.addf %scan3A_79, %get3A_121 : vector<16xf32>
        %mul3A_123 = arith.constant 64 : i32
        %mul3A_124 = arith.muli %scan3A_73, %mul3A_123 : i32
        %add3A_125 = arith.constant 32 : i32
        %add3A_126 = arith.addi %mul3A_124, %add3A_125 : i32
        %get3A_127 = arith.index_cast %add3A_126 : i32 to index
        %get3A_128 = tpu.vector_load %arg14[%get3A_127] {strides = array<i32>} : memref<1024xf32, #tpu.memory_space<vmem>>, vector<16xf32>,
        %add3A_129 = arith.addf %scan3A_80, %get3A_128 : vector<16xf32>
        %mul3A_130 = arith.constant 64 : i32
        %mul3A_131 = arith.muli %scan3A_73, %mul3A_130 : i32
        %add3A_132 = arith.constant 48 : i32
        %add3A_133 = arith.addi %mul3A_131, %add3A_132 : i32
        %get3A_134 = arith.index_cast %add3A_133 : i32 to index
        %get3A_135 = tpu.vector_load %arg14[%get3A_134] {strides = array<i32>} : memref<1024xf32, #tpu.memory_space<vmem>>, vector<16xf32>,
        %add3A_136 = arith.addf %scan3A_81, %get3A_135 : vector<16xf32>
        scf.yield %add3A_87, %add3A_94, %add3A_101, %add3A_108, %add3A_115, %add3A_122, %add3A_129, %add3A_136 : vector<16xf32>, vector<16xf32>, vector<16xf32>, vector<16xf32>, vector<16xf32>, vector<16xf32>, vector<16xf32>, vector<16xf32>
      }
      %scan3A_61 = arith.constant 16 : i32
      %div3A = arith.divf %scan3A_60#0, %scan3A_60#4 : vector<16xf32>
      %swap3A_62 = arith.constant 0 : index
      %swap3A_63 = tpu.vector_load %arg15[%swap3A_62] {strides = array<i32>} : memref<64xf32, #tpu.memory_space<vmem>>, vector<16xf32>,
      tpu.vector_store %arg15[%swap3A_62], %div3A {strides = array<i32>} : memref<64xf32, #tpu.memory_space<vmem>>, vector<16xf32>,
      %div3A_64 = arith.divf %scan3A_60#1, %scan3A_60#5 : vector<16xf32>
      %swap3A_65 = arith.constant 16 : index
      %swap3A_66 = tpu.vector_load %arg15[%swap3A_65] {strides = array<i32>} : memref<64xf32, #tpu.memory_space<vmem>>, vector<16xf32>,
      tpu.vector_store %arg15[%swap3A_65], %div3A_64 {strides = array<i32>} : memref<64xf32, #tpu.memory_space<vmem>>, vector<16xf32>,
      %div3A_67 = arith.divf %scan3A_60#2, %scan3A_60#6 : vector<16xf32>
      %swap3A_68 = arith.constant 32 : index
      %swap3A_69 = tpu.vector_load %arg15[%swap3A_68] {strides = array<i32>} : memref<64xf32, #tpu.memory_space<vmem>>, vector<16xf32>,
      tpu.vector_store %arg15[%swap3A_68], %div3A_67 {strides = array<i32>} : memref<64xf32, #tpu.memory_space<vmem>>, vector<16xf32>,
      %div3A_70 = arith.divf %scan3A_60#3, %scan3A_60#7 : vector<16xf32>
      %swap3A_71 = arith.constant 48 : index
      %swap3A_72 = tpu.vector_load %arg15[%swap3A_71] {strides = array<i32>} : memref<64xf32, #tpu.memory_space<vmem>>, vector<16xf32>,
      tpu.vector_store %arg15[%swap3A_71], %div3A_70 {strides = array<i32>} : memref<64xf32, #tpu.memory_space<vmem>>, vector<16xf32>,
      "tpu.region"() ({
        %run_scoped3A = tpu.sem_alloc : memref<!tpu.dma_semaphore, #tpu.memory_space<semaphore_mem>>
        tpu.enqueue_dma source(%arg15 : memref<64xf32, #tpu.memory_space<vmem>>) target(%arg4 : memref<64xf32, #tpu.memory_space<hbm>>) target_semaphore(%run_scoped3A : memref<!tpu.dma_semaphore, #tpu.memory_space<semaphore_mem>>)
        tpu.wait_dma2 semaphore(%run_scoped3A : memref<!tpu.dma_semaphore, #tpu.memory_space<semaphore_mem>>) src(%arg15 : memref<64xf32, #tpu.memory_space<vmem>>) dst(%arg4 : memref<64xf32, #tpu.memory_space<hbm>>)
        tpu.yield
      }) : () -> ()
    } else {
    }
    return
  }
}

</mosaic_0001>

<sc_bundles>
// kernel: _seg_mean.3.cloned.1.call-start
scs
__scs_entry_jumppad:
0x0: {  	(pc) =	sbr.rel $0x88, $3  }
0x1: {  	(tag) =	ssettag $0x0;
	lr =	simm.s32 $0x1  }
0x2: {  	[smem:$0x3F9F] =	sst lr;
	_ =	strace $0xD0000000  }
0x3: {  	_ = 	snop  }
0x4: {  	_ = 	snop  }
0x5: {  	_ = 	snop  }
0x6: {  	_ = 	snop  }
0x7: {  	_ = 	snop  }
__scs_overlays_trampoline_lowered:
0x8: {  	[smem:$0x3FAE] =	sst s0  }
0x9: {  	[smem:$0x3FAF] =	sst s1  }
0xa: {  	[smem:$0x3FB0] =	sst s2  }
0xb: {  	[smem:$0x3FB1] =	sst s3  }
0xc: {  	[smem:$0x3FB2] =	sst s4  }
0xd: {  	[smem:$0x3FB3] =	sst s5  }
0xe: {  	[smem:$0x3FB4] =	sst s6  }
0xf: {  	[smem:$0x3FB5] =	sst s7  }
0x10: {  	[smem:$0x3FB6] =	sst s8  }
0x11: {  	[smem:$0x3FB7] =	sst s9;
	s0 =	simm.s32 @!p0 $0x0  }
0x12: {  	s1 =	sld [smem:$0x3F9D];
	s0 =	simm.s32 @p0 $0x1  }
0x13: {  	[smem:$0x3FB8] =	sst s0;
	s0 =	simm.s32 @!p1 $0x0  }
0x14: {  	s2 =	sld [smem:$0x3F9C];
	s0 =	simm.s32 @p1 $0x1  }
0x15: {  	[smem:$0x3FB9] =	sst s0;
	s0 =	simm.s32 @!p2 $0x0  }
0x16: {  	s3 =	sld [smem:$0x3FDB];
	s0 =	simm.s32 @p2 $0x1  }
0x17: {  	s4 =	simm.s32 $0x1BF5;
	[smem:$0x3FBB] =	sst s0  }
0x18: {  	s0 =	sld [smem:$0x3F9E];
	_ =	swait.ge [sflag:s4], $0x0  }
0x19: {  	s7 =	sld [smem:$0x3F9F]  }
0x1a: {  	s8 =	sadd.s32 $0xFFFFE003, lr  }
0x1b: {  	s9 =	sadd.s32 $0xFFFFFEF7, lr;
	s5 =	simm.s32 $0xFFFFFFFF;
	p2 =	slt.u32 s8, $0xFFFFF086  }
0x1c: {  	p1 =	slt.u32 s9, $0xF7A;
	s5 =	simm.s32 @!p2 $0x0  }
0x1d: {  	s5 =	simm.s32 @p1 $0x1;
	p0 =	seq.s32 s7, s2  }
0x1e: {  	s7 =	smul.u32 @!p0 $0xF7A, s2;
	p2 =	seq.s32 @!p0 s5, $0x0  }
0x1f: {  	s9 =	smul.u32 $0xF7A, s1;
	s8 =	simm.s32 @!p0 $0x1BF5;
	p2 =	por !p2, p0  }
0x20: {  	[sflag:s8] =	ssyncset.s32 @!p0 $0xFFFFF086;
	s6 =	sadd.s32 @!p0 s3, s7;
	s7 =	simm.s32 @!p0 $0x108  }
0x21: {  	s3 =	sadd.s32 s3, s9;
	s6 =	sadd.s32 @!p0 $0x88, s6;
	s7 =	simm.s32 @p2 $0x1082  }
0x22: {  	[simem:s7], [sflag:s8] =	dma.local @!p0 [hbm:s6], $0xF7A  }
0x23: {  	s9 =	sor.u32 $0xD0000000, s2;
	s6 =	simm.s32 $0x108;
	_ =	swait.ge @!p0 [sflag:s8], $0x0  }
0x24: {  	s3 =	sadd.s32 $0x88, s3;
	s6 =	simm.s32 @!p1 $0x1082;
	[sflag:s4] =	ssyncset.s32 $0xFFFFF086  }
0x25: {  	[simem:s6], [sflag:s4] =	dma.local [hbm:s3], $0xF7A  }
0x26: {  	[smem:$0x3F9F] =	sst s1;
	(tag) =	ssettag s2;
	_ =	strace s9  }
0x27: {  	s1 =	sld [smem:$0x3FAF]  }
0x28: {  	s2 =	sld [smem:$0x3FB0]  }
0x29: {  	s4 =	sld [smem:$0x3FB2]  }
0x2a: {  	p0 =	seq.s32 s5, $0x0;
	s5 =	sld [smem:$0x3FB3]  }
0x2b: {  	s6 =	sld [smem:$0x3FB4]  }
0x2c: {  	s7 =	sld [smem:$0x3FB5]  }
0x2d: {  	s3 =	simm.s32 $0x108;
	s8 =	sld [smem:$0x3FB6]  }
0x2e: {  	s3 =	simm.s32 @!p0 $0x1082;
	s9 =	sld [smem:$0x3FB7]  }
0x2f: {  	lr =	sadd.s32 s0, s3;
	s0 =	sld [smem:$0x3FAE]  }
0x30: {  	s3 =	sld [smem:$0x3FB1]  }
0x31: {  	[smem:$0x3FBA] =	sst s10  }
0x32: {  	s10 =	sld [smem:$0x3FB8];
	_ =	sdelay $0x3  }
0x33: {  	p0 =	seq.s32 s10, $0x1;
	s10 =	sld [smem:$0x3FBA];
	_ =	sdelay $0x3  }
0x34: {  	[smem:$0x3FBA] =	sst s10  }
0x35: {  	s10 =	sld [smem:$0x3FB9];
	_ =	sdelay $0x3  }
0x36: {  	p1 =	seq.s32 s10, $0x1;
	s10 =	sld [smem:$0x3FBA];
	_ =	sdelay $0x3  }
0x37: {  	[smem:$0x3FBA] =	sst s10  }
0x38: {  	s10 =	sld [smem:$0x3FBB]  }
0x39: {  	_ = 	snop;
	(pc) =	sbr.ind lr, $3  }
0x3a: {  	_ = 	snop  }
0x3b: {  	_ = 	snop  }
0x3c: {  	p2 =	seq.s32 s10, $0x1;
	s10 =	sld [smem:$0x3FBA]  }
0x3d: {  	_ =	shalt  }
0x3e: {  	_ =	shalt  }
0x3f: {  	_ =	shalt  }
0x40: {  	_ =	shalt  }
0x41: {  	_ =	shalt  }
0x42: {  	_ =	shalt  }
0x43: {  	_ =	shalt  }
0x44: {  	_ =	shalt  }
0x45: {  	_ =	shalt  }
0x46: {  	_ =	shalt  }
0x47: {  	_ =	shalt  }
0x48: {  	_ =	shalt  }
0x49: {  	_ =	shalt  }
0x4a: {  	_ =	shalt  }
0x4b: {  	_ =	shalt  }
0x4c: {  	_ =	shalt  }
0x4d: {  	_ =	shalt  }
0x4e: {  	_ =	shalt  }
0x4f: {  	_ =	shalt  }
0x50: {  	_ =	shalt  }
0x51: {  	_ =	shalt  }
0x52: {  	_ =	shalt  }
0x53: {  	_ =	shalt  }
0x54: {  	_ =	shalt  }
0x55: {  	_ =	shalt  }
0x56: {  	_ =	shalt  }
0x57: {  	_ =	shalt  }
0x58: {  	_ =	shalt  }
0x59: {  	_ =	shalt  }
0x5a: {  	_ =	shalt  }
0x5b: {  	_ =	shalt  }
0x5c: {  	_ =	shalt  }
0x5d: {  	_ =	shalt  }
0x5e: {  	_ =	shalt  }
0x5f: {  	_ =	shalt  }
0x60: {  	_ =	shalt  }
0x61: {  	_ =	shalt  }
0x62: {  	_ =	shalt  }
0x63: {  	_ =	shalt  }
0x64: {  	_ =	shalt  }
0x65: {  	_ =	shalt  }
0x66: {  	_ =	shalt  }
0x67: {  	_ =	shalt  }
0x68: {  	_ =	shalt  }
0x69: {  	_ =	shalt  }
0x6a: {  	_ =	shalt  }
0x6b: {  	_ =	shalt  }
0x6c: {  	_ =	shalt  }
0x6d: {  	_ =	shalt  }
0x6e: {  	_ =	shalt  }
0x6f: {  	_ =	shalt  }
0x70: {  	_ =	shalt  }
0x71: {  	_ =	shalt  }
0x72: {  	_ =	shalt  }
0x73: {  	_ =	shalt  }
0x74: {  	_ =	shalt  }
0x75: {  	_ =	shalt  }
0x76: {  	_ =	shalt  }
0x77: {  	_ =	shalt  }
0x78: {  	_ =	shalt  }
0x79: {  	_ =	shalt  }
0x7a: {  	_ =	shalt  }
0x7b: {  	_ =	shalt  }
0x7c: {  	_ =	shalt  }
0x7d: {  	_ =	shalt  }
0x7e: {  	_ =	shalt  }
0x7f: {  	_ =	shalt  }
0x80: {  	_ =	shalt  }
0x81: {  	_ =	shalt  }
0x82: {  	_ =	shalt  }
0x83: {  	_ =	shalt  }
0x84: {  	_ =	shalt  }
0x85: {  	_ =	shalt  }
0x86: {  	_ =	shalt  }
0x87: {  	_ =	shalt  }
.Lfunc_end0:
.L_simem_size_0:
called_computation_lowered:
.L_overlay_start_0:
0x88: {  	s0 =	sld [smem:$0x3FD9]  }
0x89: {  	s1 =	sld [smem:$0x3FFE];
	_ =	sdelay $0x3  }
0x8a: {  	s0 =	sadd.s32 s1, s0  }
0x8b: {  	[smem:$0x3FC6] =	sst s0  }
0x8c: {  	_ = 	snop  }
0x8d: {  	s0 =	sld [smem:$0x3FC9]  }
0x8e: {  	s17 =	sld [smem:$0x3FC8]  }
0x8f: {  	s2 =	sld [smem:$0x3FD0];
	(tm) =	ssettm $0x1  }
0x90: {  	s3 =	sld [smem:$0x3FFB];
	_ =	sdelay $0x3  }
0x91: {  	_ =	strace s3  }
0x92: {  	s3 =	sld [smem:$0x3FFC];
	_ =	sdelay $0x3  }
0x93: {  	_ =	strace s3  }
0x94: {  	s3 =	sld [smem:$0x3FFD];
	_ =	sdelay $0x3  }
0x95: {  	_ =	strace s3  }
0x96: {  	_ =	strace $0x8FFFFFFF  }
0x97: {  	s18 =	sld [smem:$0x3FDB];
	_ =	sdelay $0x1  }
0x98: {  	s4 =	simm.s32 $_scs_section_size  }
0x99: {  	s5 =	simm.s32 $_size__tile_overlayer_lowered;
	s6 =	simm.s32 $_tile_overlayer_lowered  }
0x9a: {  	s21 =	simm.s32 $0x1BFF;
	s20 =	sshll.u32 s6, $0x1;
	s3 =	sadd.s32 s4, s18  }
0x9b: {  	s7 =	simm.s32 $0x0;
	s19 =	sshll.u32 s5, $0x1;
	s5 =	sadd.s32 s20, s3  }
0x9c: {  	[timem:s7], [sflag:s21] =	dma.local [hbm:s5], s19  }
0x9d: {  	_ =	swait.ge [sflag:s21], s19  }
0x9e: {  	s4 =	ssub.s32 $0x0, s19;
	[sflag:s21] =	ssyncset.done $0x0  }
0x9f: {  	[sflag:s21] =	ssyncadd.s32 s4;
	_ =	sdelay $0x1  }
0xa0: {  	s22 =	simm.s32 $0x1B8B  }
0xa1: {  	_ =	swait.ge [sflag:s22], $0x1  }
0xa2: {  	[sflag:s22] =	ssyncset.done $0x0  }
0xa3: {  	s23 =	simm.s32 $0x1B8E;
	[sflag:s22] =	ssyncadd.s32 $0xFFFFFFFF  }
0xa4: {  	s24 =	simm.s32 $execute0_lowered;
	[smem:$0x3FD2] =	sst s23  }
0xa5: {  	s4 =	sshll.u32 s24, $0x1;
	_ =	strace $0x80000046;
	[dreg:$0x1] =	wrdreg $0xFFFFFFFF  }
0xa6: {  	s25 =	simm.s32 $_size_execute0_lowered;
	s3 =	sadd.s32 s3, s4;
	[dreg:$0x0] =	wrdreg $0x0  }
0xa7: {  	s4 =	sshll.u32 s25, $0x1;
	[dreg:$0x2] =	wrdreg s3  }
0xa8: {  	[dreg:$0x3] =	wrdreg s4  }
0xa9: {  	[dreg:$0x4] =	wrdreg $0xC0  }
0xaa: {  	_ =	task [dreg:s7], $0x5FFFF  }
0xab: {  	[dreg:$0x1] =	wrdreg $0xFFFFFFFF  }
0xac: {  	[dreg:$0x0] =	wrdreg $0x60  }
0xad: {  	[dreg:$0x2] =	wrdreg s0  }
0xae: {  	[dreg:$0x3] =	wrdreg s17  }
0xaf: {  	[dreg:$0x4] =	wrdreg s2  }
0xb0: {  	[dreg:$0x5] =	wrdreg $0x9000  }
0xb1: {  	[dreg:$0x6] =	wrdreg $0x9400  }
0xb2: {  	[dreg:$0x7] =	wrdreg $0x9  }
0xb3: {  	_ =	task.clear_ibuf [dreg:s7], $0x8FFFF;
	_ =	strace $0x90000046  }
0xb4: {  	s26 =	simm.s32 $0x9;
	_ =	strace $0x80000048  }
0xb5: {  	_ =	swait.ge [sflag:s26], $0x1  }
0xb6: {  	[sflag:s26] =	ssyncadd.s32 $0xFFFFFFFF  }
0xb7: {  	_ =	strace $0x90000048  }
0xb8: {  	_ =	sfence  }
0xb9: {  	s28 =	sld [smem:$0x0];
	_ =	sdelay $0x1  }
0xba: {  	s29 =	srdreg.scid  }
0xbb: {  	s30 =	sshll.u32 s29, $0xD;
	s31 =	sshrl.u32 s29, $0x2  }
0xbc: {  	s1 =	sand.u32 $0x1, s29;
	s2 =	sand.u32 $0x4000, s30;
	s0 =	sadd.s32 s31, s28  }
0xbd: {  	s1 =	sor.u32 s2, s1;
	s0 =	sshll.u32 s0, $0x11  }
0xbe: {  	s0 =	sor.u32 s0, s1  }
0xbf: {  	s0 =	sadd.s32 $0x8F2B, s0  }
0xc0: {  	[sflag:s0] =	ssyncadd.remote.s32 $0x1  }
0xc1: {  	_ =	sfence.sel $0xFFFF  }
0xc2: {  	[dreg:$0x0] =	wrdreg $0xFFFFFFFF;
	(pc) =	sbr.abs _section_cstart, $3  }
0xc3: {  	[dreg:$0x1] =	wrdreg $0xFFFFFFFF  }
0xc4: {  	_ =	task.clear_ibuf [dreg:s7], $0x2FFFF;
	_ =	strace $0x9FFFFFFF  }
0xc5: {  	(tm) =	ssettm $0x7FFFFFFF  }
tec
execute0_lowered:
.L_overlay_start_1:
0x0: {  	(tag) =	ssettag $0x1  }
0x1: {  	s5 =	rddreg [dreg:$0x0]  }
0x2: {  	s6 =	rddreg [dreg:$0x1]  }
0x3: {  	s1 =	rddreg [dreg:$0x2]  }
0x4: {  	s3 =	rddreg [dreg:$0x3]  }
0x5: {  	s2 =	rddreg [dreg:$0x4];
	s8 =	simm.s32 $0x0  }
0x6: {  	v0 =	vimm.f32 $0.0e+00;
	[smem:$0x7FF] =	sst s8  }
0x7: {  	s0 =	rddreg [dreg:$0x5];
	_ =	strace $0x80000047;
	[tilespmem:$0x800] =	vst v0  }
0x8: {  	[tilespmem:$0x880] =	vst v0  }
0x9: {  	[tilespmem:$0x810] =	vst v0  }
0xa: {  	s4 =	stileid.u32;
	[tilespmem:$0x890] =	vst v0  }
0xb: {  	s7 =	smul.u32 $0x270, s4;
	[tilespmem:$0x820] =	vst v0  }
0xc: {  	[tilespmem:$0x8A0] =	vst v0  }
0xd: {  	[tilespmem:$0x830] =	vst v0;
	s9 =	sshrl.u32 s7, $0x3  }
0xe: {  	s30 =	simm.s32 $0x280;
	s31 =	simm.s32 $0x2;
	[tilespmem:$0x8B0] =	vst v0;
	s6 =	sadd.s32 s6, s9  }
0xf: {  	v0 =	vlaneseq.u32;
	[tilespmem:s30], [sflag:$0x2] =	stream.linear.gather [hbm4b:s6+s8], $0x280, $0x38;
	[tilespmem:$0x1200] =	vst v63  }
0x10: {  	v1 =	vmul.u32 $0x80, v0;
	v0 =	vmov s7;
	_ =	swait.ge [sflag:s31], $0x280  }
0x11: {  	v0 =	vshll.u32 v0, $0x7;
	[sflag:s31] =	ssyncset.done $0x0  }
0x12: {  	s8 =	simm.s32 $0x40;
	v0 =	vor.u32 v1, v0;
	s6 =	simm.s32 $0x0;
	[sflag:s31] =	ssyncadd.s32 $0xFFFFFD80  }
.LBB2_1:
0x13: {  	p0 =	sne.s32 s8, $0x9C0  }
0x14: {  	[tilespmem:s6+$0x580] =	vst v0;
	s7 =	sadd.s32 $0x10, s7;
	s6 =	smov.u32 s8;
	s8 =	sadd.s32 $0x40, s8  }
.Ltmp0:
0x15: {  	(pc) =	sbr.rel @p0 .LBB2_1-.Ltmp0, $4  }
0x16: {  	_ = 	snop  }
0x17: {  	v0 =	vmov s7  }
0x18: {  	v0 =	vshll.u32 v0, $0x7  }
0x19: {  	s6 =	sshra.s32 s6, $0x2;
	v0 =	vor.u32 v1, v0  }
0x1a: {  	vm0 =	vcmask $0x3F3C  }
0x1b: {  	v1 =	vimm.f32 $1.600000000e+01;
	vm1 =	vcmask $0x300;
	v2 =	vimm.f32 $-1.600000000e+01  }
0x1c: {  	v1 =	vsel vm1, $0x3F800000, v1;
	v2 =	vsel vm1, $0xBF800000, v2;
	vm1 =	vcmask $0x704  }
0x1d: {  	v1 =	vsel vm1, $0x40000000, v1;
	v2 =	vsel vm1, $0xC0000000, v2;
	vm1 =	vcmask $0xB08  }
0x1e: {  	v1 =	vsel vm1, $0x40400000, v1;
	v2 =	vsel vm1, $0xC0400000, v2;
	vm1 =	vcmask $0xF0C  }
0x1f: {  	v1 =	vsel vm1, $0x40800000, v1;
	v2 =	vsel vm1, $0xC0800000, v2;
	vm1 =	vcmask $0x1310  }
0x20: {  	v1 =	vsel vm1, $0x40A00000, v1;
	v2 =	vsel vm1, $0xC0A00000, v2;
	vm1 =	vcmask $0x1714  }
0x21: {  	p0 =	seq.s32 s4, $0xF;
	s7 =	simm.s32 $0x28;
	v1 =	vsel vm1, $0x40C00000, v1;
	v2 =	vsel vm1, $0xC0C00000, v2;
	vm1 =	vcmask $0x1B18  }
0x22: {  	[tilespmem:s6+$0x580] =	vst v0;
	s31 =	simm.s32 $0x280;
	s9 =	simm.s32 $0x580;
	s8 =	simm.s32 $0x0;
	v1 =	vsel vm1, $0x40E00000, v1;
	v2 =	vsel vm1, $0xC0E00000, v2;
	vm1 =	vcmask $0x1F1C  }
0x23: {  	[tilespmem:s8], [sflag:$0x1] =	stream.indirect.gather [hbm4b:s5+s31], $0x1, s9, s31, $0xb8;
	v1 =	vsel vm1, $0x41000000, v1;
	v2 =	vsel vm1, $0xC1000000, v2;
	vm1 =	vcmask $0x2320;
	[tilespmem:$0x1200] =	vst v63  }
0x24: {  	s7 =	simm.s32 @!p0 $0x27;
	v1 =	vsel vm1, $0x41100000, v1;
	v2 =	vsel vm1, $0xC1100000, v2;
	vm1 =	vcmask $0x2724  }
0x25: {  	p0 =	sne.s32 s7, $0x1;
	v1 =	vsel vm1, $0x41200000, v1;
	v2 =	vsel vm1, $0xC1200000, v2;
	vm1 =	vcmask $0x2B28  }
.Ltmp1:
0x26: {  	v0 =	vsel vm1, $0x41300000, v1;
	v1 =	vsel vm1, $0xC1300000, v2;
	vm1 =	vcmask $0x2F2C;
	(pc) =	sbr.rel @!p0 .LBB2_4-.Ltmp1, $4  }
0x27: {  	s5 =	simm.s32 $0x281;
	v0 =	vsel vm1, $0x41400000, v0;
	v1 =	vsel vm1, $0xC1400000, v1;
	vm1 =	vcmask $0x3330  }
0x28: {  	v3 =	vld [tilespmem:s5+$0xFFFFFFFF];
	v0 =	vsel vm1, $0x41500000, v0;
	v1 =	vsel vm1, $0xC1500000, v1;
	vm1 =	vcmask $0x3734  }
0x29: {  	v2 =	vld [tilespmem:s5+$0x0];
	v0 =	vsel vm1, $0x41600000, v0;
	v1 =	vsel vm1, $0xC1600000, v1;
	vm1 =	vcmask $0x3B38  }
0x2a: {  	s6 =	simm.s32 $0x880;
	s10 =	simm.s32 $0x281;
	s9 =	sadd.s32 $0xFFFFFFFF, s7;
	v0 =	vsel vm1, $0x41700000, v0;
	v1 =	vsel vm1, $0xC1700000, v1;
	vm1 =	vmmov $0x7fff  }
.LBB2_3:
0x2b: {  	p1 =	sne.s32 s9, $0x1;
	_ =	sdelay $0x2  }
0x2c: {  	vm2 =	vne.s32 v3, v2  }
0x2d: {  	vm3 =	vmor vm2, vm0;
	vm2 =	vmand vm2, vm1;
	_ =	sdelay $0x5  }
.Ltmp2:
0x2e: {  	[tilespmem:v3+s6+$0x0] =	vst.idx.add.f32.msk vm3, v0;
	(pc) =	sbr.rel @p1 .LBB2_3-.Ltmp2, $4  }
0x2f: {  	s10 =	sadd.s32 $0x10, s10;
	[tilespmem:v2+s6+$0x0] =	vst.idx.add.f32.msk vm2, v1  }
0x30: {  	v2 =	vld [tilespmem:s10+$0x0]  }
0x31: {  	v3 =	vld [tilespmem:s10+$0xFFFFFFFF]  }
0x32: {  	s9 =	sadd.s32 $0xFFFFFFFF, s9  }
.LBB2_4:
0x33: {  	_ =	sdelay $0x2  }
0x34: {  	vm2 =	vne.s32 v3, v2  }
0x35: {  	vm3 =	vmor vm2, vm0  }
0x36: {  	vm2 =	vmand vm2, vm1;
	_ =	sdelay $0x4  }
0x37: {  	[tilespmem:v3+s6+$0x0] =	vst.idx.add.f32.msk vm3, v0  }
.Ltmp3:
0x38: {  	s31 =	simm.s32 $0x1;
	[tilespmem:v2+s6+$0x0] =	vst.idx.add.f32.msk vm2, v1;
	(pc) =	sbr.rel @!p0 .LBB2_5-.Ltmp3, $4  }
0x39: {  	_ =	swait.ge [sflag:s31], $0x280  }
0x3a: {  	[sflag:s31] =	ssyncset.done $0x0  }
0x3b: {  	[sflag:s31] =	ssyncadd.s32 $0xFFFFFD80  }
0x3c: {  	s7 =	sadd.s32 $0xFFFFFFFF, s7;
	p1 =	por $0x0, $0x0;
	s6 =	simm.s32 $0x800;
	v0 =	vld [tilespmem:s8+$0x0]  }
0x3d: {  	_ =	sdelay $0x2  }
0x3e: {  	v1 =	vld [tilespmem:s5+$0x0]  }
0x3f: {  	v2 =	vld [tilespmem:s5+$0xFFFFFFFF];
	(xrf2) =	vadd.scan.msk.f32 $0xffff, v0;
	_ =	sdelay $0x4  }
0x40: {  	vm2 =	vne.s32 v2, v1  }
0x41: {  	vm3 =	vmor vm2, vm0  }
0x42: {  	vm2 =	vmand vm2, vm1;
	_ =	sdelay $0x1  }
0x43: {  	p0 =	sne.s32 s7, $0x1  }
.Ltmp4:
0x44: {  	v0, _, _ =	vpop (xrf2);
	(pc) =	sbr.rel @!p0 .LBB2_7-.Ltmp4, $4  }
0x45: {  	v3 =	vsub.f32 $0.0e+00, v0  }
0x46: {  	[tilespmem:v2+s6+$0x0] =	vst.idx.add.f32.msk vm3, v0  }
0x47: {  	s8 =	simm.s32 $0x10;
	[tilespmem:v1+s6+$0x0] =	vst.idx.add.f32.msk vm2, v3  }
0x48: {  	s9 =	sadd.s32 $0xFFFFFFFF, s7;
	p1 =	por $0x1, $0x1;
	s7 =	simm.s32 $0x281;
	v0 =	vld [tilespmem:s8+$0x0]  }
.LBB2_8:
0x49: {  	p0 =	sne.s32 s9, $0x1;
	_ =	sdelay $0x1  }
0x4a: {  	s7 =	sadd.s32 $0x10, s7  }
0x4b: {  	v1 =	vld [tilespmem:s7+$0x0]  }
0x4c: {  	v2 =	vld [tilespmem:s7+$0xFFFFFFFF];
	(xrf2) =	vadd.scan.msk.f32 $0xffff, v0;
	_ =	sdelay $0x4  }
0x4d: {  	vm2 =	vne.s32 v2, v1  }
0x4e: {  	vm3 =	vmor vm2, vm0;
	vm2 =	vmand vm2, vm1;
	_ =	sdelay $0x3  }
.Ltmp5:
0x4f: {  	v0, _, _ =	vpop (xrf2);
	(pc) =	sbr.rel @p0 .LBB2_8-.Ltmp5, $4  }
0x50: {  	v3 =	vsub.f32 $0.0e+00, v0  }
0x51: {  	[tilespmem:v2+s6+$0x0] =	vst.idx.add.f32.msk vm3, v0  }
0x52: {  	s8 =	sadd.s32 $0x10, s8;
	[tilespmem:v1+s6+$0x0] =	vst.idx.add.f32.msk vm2, v3  }
0x53: {  	s9 =	sadd.s32 $0xFFFFFFFF, s9;
	v0 =	vld [tilespmem:s8+$0x0]  }
.LBB2_9:
0x54: {  	_ = 	snop  }
0x55: {  	s7 =	sadd.s32 @p1 $0x10, s7  }
0x56: {  	s5 =	smov.u32 @p1 s7  }
0x57: {  	v1 =	vld [tilespmem:s5+$0x0]  }
0x58: {  	v2 =	vld [tilespmem:s5+$0xFFFFFFFF];
	(xrf2) =	vadd.scan.msk.f32 $0xffff, v0;
	_ =	sdelay $0x4  }
0x59: {  	vm2 =	vne.s32 v2, v1  }
0x5a: {  	vm0 =	vmor vm2, vm0  }
0x5b: {  	vm1 =	vmand vm2, vm1;
	_ =	sdelay $0x2  }
0x5c: {  	v0, _, _ =	vpop (xrf2)  }
0x5d: {  	v3 =	vsub.f32 $0.0e+00, v0  }
0x5e: {  	s28 =	sshll.u32 s4, $0x6;
	[tilespmem:v2+s6+$0x0] =	vst.idx.add.f32.msk vm0, v0  }
0x5f: {  	s29 =	sadd.s32 s28, s3;
	s5 =	simm.s32 $0x2;
	[tilespmem:v1+s6+$0x0] =	vst.idx.add.f32.msk vm1, v3  }
0x60: {  	[spmem:s29] =	stream.linear.scatter [tilespmem:s6], [sflag:$0x2], $0x40, $0x38;
	[tilespmem:$0x1200] =	vst v63  }
0x61: {  	_ =	swait.ge [sflag:s5], $0x40  }
0x62: {  	[sflag:s5] =	ssyncset.done $0x0  }
0x63: {  	s31 =	simm.s32 $0x880;
	s30 =	sadd.s32 s28, s2;
	[sflag:s5] =	ssyncadd.s32 $0xFFFFFFC0  }
0x64: {  	[spmem:s30] =	stream.linear.scatter [tilespmem:s31], [sflag:$0x2], $0x40, $0x38;
	[tilespmem:$0x1200] =	vst v63  }
0x65: {  	_ =	swait.ge [sflag:s5], $0x40  }
0x66: {  	[sflag:s5] =	ssyncset.done $0x0  }
0x67: {  	[sflag:s5] =	ssyncadd.s32 $0xFFFFFFC0  }
0x68: {  	p0 =	sne.s32 s4, $0x0;
	[bflag:$0x0] =	sbarrier.arrive $0xFFFF  }
0x69: {  	_ =	sfence.sel @p0 $0x180000  }
0x6a: {  	[bflag:$0x0] =	sbarrier.arrive @p0 $0xFFFF  }
0x6b: {  	_ =	strace @p0 $0x90000047  }
0x6c: {  	[bflag:$0x2] =	sbarrier.arrive @p0 $0xFFFF  }
0x6d: {  	_ =	shalt @p0  }
.LBB2_10:
0x6e: {  	s4 =	simm.s32 $0x980  }
0x6f: {  	[tilespmem:s4], [sflag:$0x2] =	stream.linear.gather [spmem:s3], $0x400, $0x38;
	[tilespmem:$0x1200] =	vst v63  }
0x70: {  	_ =	swait.ge [sflag:s5], $0x400  }
0x71: {  	[sflag:s5] =	ssyncset.done $0x0  }
0x72: {  	s30 =	simm.s32 $0xD80;
	[sflag:s5] =	ssyncadd.s32 $0xFFFFFC00  }
0x73: {  	[tilespmem:s30], [sflag:$0x2] =	stream.linear.gather [spmem:s2], $0x400, $0x38;
	[tilespmem:$0x1200] =	vst v63  }
0x74: {  	_ =	swait.ge [sflag:s5], $0x400  }
0x75: {  	[sflag:s5] =	ssyncset.done $0x0  }
0x76: {  	s31 =	simm.s32 $0x0;
	[sflag:s5] =	ssyncadd.s32 $0xFFFFFC00  }
0x77: {  	v1 =	vld [tilespmem:s31+$0xDB0]  }
0x78: {  	v2 =	vld [tilespmem:s31+$0x980]  }
0x79: {  	v3 =	vld [tilespmem:s31+$0x990]  }
0x7a: {  	v5 =	vld [tilespmem:s31+$0x9A0]  }
0x7b: {  	v4 =	vld [tilespmem:s31+$0x9B0]  }
0x7c: {  	v0 =	vimm.f32 $0.0e+00;
	v10 =	vimm.f32 $0.0e+00;
	v7 =	vld [tilespmem:s31+$0xD80]  }
0x7d: {  	v8 =	vimm.f32 $0.0e+00;
	v9 =	vimm.f32 $0.0e+00;
	v11 =	vld [tilespmem:s31+$0xD90];
	v6 =	vadd.f32 v1, v0  }
0x7e: {  	s3 =	simm.s32 $0x200;
	s2 =	simm.s32 $0x40;
	v12 =	vld [tilespmem:s31+$0xDA0];
	v2 =	vadd.f32 v2, v0;
	v1 =	vadd.f32 v3, v0;
	v3 =	vimm.f32 $0.0e+00  }
.LBB2_11:
0x7f: {  	p0 =	sne.s32 s3, $0xF00;
	v13 =	vld [tilespmem:s2+$0xDB0];
	v0 =	vadd.f32 v5, v0  }
0x80: {  	v14 =	vld [tilespmem:s2+$0x980];
	v3 =	vadd.f32 v4, v3  }
0x81: {  	v15 =	vld [tilespmem:s2+$0x990];
	v10 =	vadd.f32 v7, v10  }
.Ltmp6:
0x82: {  	v5 =	vld [tilespmem:s2+$0x9A0];
	v8 =	vadd.f32 v11, v8;
	(pc) =	sbr.rel @p0 .LBB2_11-.Ltmp6, $4  }
0x83: {  	v4 =	vld [tilespmem:s2+$0x9B0];
	v9 =	vadd.f32 v12, v9  }
0x84: {  	v7 =	vld [tilespmem:s2+$0xD80];
	v6 =	vadd.f32 v13, v6  }
0x85: {  	v2 =	vadd.f32 v14, v2;
	v11 =	vld [tilespmem:s2+$0xD90]  }
0x86: {  	v1 =	vadd.f32 v15, v1;
	v12 =	vld [tilespmem:s2+$0xDA0];
	s2 =	sshra.s32 s3, $0x2;
	s3 =	sadd.s32 $0x100, s3  }
0x87: {  	v13 =	vld [tilespmem:s2+$0xD80]  }
0x88: {  	v14 =	vld [tilespmem:s2+$0xD90]  }
0x89: {  	v15 =	vld [tilespmem:s2+$0xDA0]  }
0x8a: {  	v54 =	vld [tilespmem:s2+$0xDB0];
	v7 =	vadd.f32 v7, v10  }
0x8b: {  	v8 =	vadd.f32 v11, v8  }
0x8c: {  	v9 =	vadd.f32 v12, v9;
	v7 =	vadd.f32 v13, v7  }
0x8d: {  	v8 =	vadd.f32 v14, v8  }
0x8e: {  	v9 =	vadd.f32 v15, v9;
	(erf) = vrcp.f32 v7  }
0x8f: {  	v6 =	vadd.f32 v54, v6;
	(erf) = vrcp.f32 v8  }
0x90: {  	(erf) = vrcp.f32 v9  }
0x91: {  	v55 =	vld [tilespmem:s2+$0x980];
	(erf) = vrcp.f32 v6  }
0x92: {  	v56 =	vld [tilespmem:s2+$0x990]  }
0x93: {  	v57 =	vld [tilespmem:s2+$0x9A0]  }
0x94: {  	v58 =	vld [tilespmem:s2+$0x9B0];
	_ =	sdelay $0x1  }
0x95: {  	v0 =	vadd.f32 v5, v0;
	v2 =	vadd.f32 v55, v2  }
0x96: {  	v3 =	vadd.f32 v4, v3;
	v1 =	vadd.f32 v56, v1;
	v59 =	vpop (erf)  }
0x97: {  	v0 =	vadd.f32 v57, v0;
	v60 =	vpop (erf);
	v2 =	vmul.f32 v59, v2  }
0x98: {  	v3 =	vadd.f32 v58, v3;
	v61 =	vpop (erf);
	v1 =	vmul.f32 v60, v1  }
0x99: {  	[tilespmem:$0x1180] =	vst v2;
	v0 =	vmul.f32 v61, v0;
	v62 =	vpop (erf)  }
0x9a: {  	[tilespmem:$0x1190] =	vst v1;
	v63 =	vmul.f32 v62, v3  }
0x9b: {  	[tilespmem:$0x11A0] =	vst v0  }
0x9c: {  	s30 =	simm.s32 $0x0;
	s3 =	simm.s32 $0x1180;
	s31 =	simm.s32 $0x2;
	[tilespmem:$0x11B0] =	vst v63  }
0x9d: {  	[hbm4b:s1+s30] =	stream.linear.scatter [tilespmem:s3], [sflag:$0x2], $0x80, $0x38;
	[tilespmem:$0x1200] =	vst v63  }
0x9e: {  	_ =	swait.ge [sflag:s31], $0x80  }
0x9f: {  	[sflag:s31] =	ssyncset.done $0x0  }
0xa0: {  	[sflag:s31] =	ssyncadd.s32 $0xFFFFFF80  }
0xa1: {  	_ =	sfence.sel $0x180000  }
0xa2: {  	[bflag:$0x0] =	sbarrier.arrive $0xFFFF  }
0xa3: {  	_ =	strace $0x90000047  }
0xa4: {  	s0 =	sadd.s32 $0x100000, s0;
	[bflag:$0x2] =	sbarrier.arrive $0xFFFF  }
0xa5: {  	[sflag:s0] =	ssyncadd.tile.s32 $0x1;
	_ =	shalt  }
.LBB2_5:
.Ltmp7:
0xa6: {  	(pc) =	sbr.rel .LBB2_9-.Ltmp7, $2  }
0xa7: {  	_ =	sdelay $0x2  }
0xa8: {  	s7 =	simm.s32 $0x281  }
.LBB2_7:
.Ltmp8:
0xa9: {  	(pc) =	sbr.rel .LBB2_9-.Ltmp8, $2  }
0xaa: {  	_ =	sdelay $0x2  }
0xab: {  	s7 =	simm.s32 $0x281  }
.Lfunc_end2:
_tile_overlayer_lowered:
.L_overlay_start_2:
0xac: {  	(tag) =	ssettag $0x2  }
0xad: {  	s0 =	rddreg [dreg:$0x0];
	s2 =	stileid.u32  }
0xae: {  	s1 =	rddreg [dreg:$0x1];
	p0 =	sne.s32 s2, $0x0  }
0xaf: {  	s3 =	rddreg [dreg:$0x2];
	[bflag:$0x3] =	sbarrier.arrive $0xFFFF;
	s2 =	simm.s32 @!p0 $0x1C02  }
0xb0: {  	[timem:s3], [sflag:s2] =	dma.local @!p0 [hbm:s0], s1  }
0xb1: {  	s0 =	simm.s32 @!p0 $0x2  }
0xb2: {  	_ =	swait.ge @!p0 [sflag:s0], s1  }
0xb3: {  	s1 =	ssub.s32 @!p0 $0x0, s1;
	[sflag:s0] =	ssyncset.done @!p0 $0x0  }
0xb4: {  	[sflag:s0] =	ssyncadd.s32 @!p0 s1  }
0xb5: {  	[bflag:$0x3] =	sbarrier.arrive $0xFFFF  }
0xb6: {  	_ =	shalt  }

</sc_bundles>
